<compile_context>
chip_gen: v7x
topology: tpu7x:2x2x1
jax: 0.10.2.dev20260603
libtpu: 0.0.44.dev20260713+nightly
codegen_flags: <defaults>
</compile_context>

<pallas_src>
import functools

import jax
import jax.numpy as jnp
from jax import lax
from jax.experimental import pallas as pl
from jax.experimental.pallas import tpu as pltpu
from jax.experimental.pallas import tpu_sc as plsc

NC, NS = 2, 16
NW = NC * NS
LANES = 16


def _sc_mesh():
    return plsc.VectorSubcoreMesh(core_axis_name="c", subcore_axis_name="s")


@functools.partial(jax.jit, static_argnums=(1, 2))
def _degree(edges4, n_edges, n_pad):
    e_per = n_edges // NW
    B = 125
    nblk = e_per // B
    rpt = n_pad // NS

    @functools.partial(
        pl.kernel,
        out_type=jax.ShapeDtypeStruct((NC, n_pad, LANES), jnp.float32),
        mesh=_sc_mesh(),
        scratch_types=[
            pltpu.VMEM((nblk, B), jnp.int32),
            pltpu.VMEM((B, LANES), jnp.float32),
            pltpu.VMEM((rpt, LANES), jnp.float32),
            pltpu.VMEM_SHARED((n_pad, LANES), jnp.float32),
            pltpu.SemaphoreType.DMA,
        ],
        compiler_params=pltpu.CompilerParams(use_tc_tiling_on_sc=False),
    )
    def deg_kernel(edge_hbm, out_hbm, dstv, onesb, zbuf, deg_sh, sem):
        cid = lax.axis_index("c")
        sid = lax.axis_index("s")
        wid = sid * NC + cid

        pltpu.sync_copy(edge_hbm.at[1, wid], dstv)

        def zrow(i, _):
            zbuf[i, :] = jnp.zeros((LANES,), jnp.float32)
            return ()
        lax.fori_loop(0, rpt, zrow, ())

        def orow(i, _):
            onesb[i, :] = jnp.ones((LANES,), jnp.float32)
            return ()
        lax.fori_loop(0, B, orow, ())

        pltpu.sync_copy(zbuf, deg_sh.at[pl.ds(sid * rpt, rpt)])
        plsc.subcore_barrier()

        W = 16

        def body(j, _):
            pltpu.async_copy(onesb, deg_sh.at[dstv.at[j]], sem, add=True)

            @pl.when(j >= W)
            def _():
                pltpu.make_async_copy(onesb, deg_sh.at[dstv.at[j - W]],
                                      sem).wait()
            return ()
        lax.fori_loop(0, nblk, body, ())

        def drain(j, _):
            pltpu.make_async_copy(onesb, deg_sh.at[dstv.at[j]], sem).wait()
            return ()
        lax.fori_loop(nblk - W, nblk, drain, ())
        plsc.subcore_barrier()

        pltpu.sync_copy(deg_sh.at[pl.ds(sid * rpt, rpt)],
                        out_hbm.at[cid, pl.ds(sid * rpt, rpt)])

    return deg_kernel(edges4)


@functools.partial(jax.jit, static_argnums=(2, 3, 4))
def _propagate(hp, edges4, n_pad, n_edges, feat):
    e_per = n_edges // NW
    B = 125
    nblk = e_per // B
    NB = 8
    rpt = n_pad // NS
    ZR = 64
    nz = rpt // ZR

    @functools.partial(
        pl.kernel,
        out_type=jax.ShapeDtypeStruct((NC, n_pad, feat), jnp.float32),
        mesh=_sc_mesh(),
        scratch_types=[
            pltpu.VMEM((nblk, B), jnp.int32),
            pltpu.VMEM((nblk, B), jnp.int32),
            [pltpu.VMEM((B, feat), jnp.float32) for _ in range(NB)],
            pltpu.VMEM((ZR, feat), jnp.float32),
            pltpu.VMEM_SHARED((n_pad, feat), jnp.float32),
            [pltpu.SemaphoreType.DMA for _ in range(NB)],
            [pltpu.SemaphoreType.DMA for _ in range(NB)],
        ],
        compiler_params=pltpu.CompilerParams(use_tc_tiling_on_sc=False),
    )
    def prop_kernel(hp_hbm, edge_hbm, out_hbm,
                    srcv, dstv, rows, zbuf, acc_sh, semg, sems):
        cid = lax.axis_index("c")
        sid = lax.axis_index("s")
        wid = sid * NC + cid

        pltpu.sync_copy(edge_hbm.at[0, wid], srcv)
        pltpu.sync_copy(edge_hbm.at[1, wid], dstv)

        def wait_gather(j, s):
            pltpu.make_async_copy(hp_hbm.at[srcv.at[j]], rows[s], semg[s]).wait()

        def wait_scatter(j, s):
            pltpu.make_async_copy(rows[s], acc_sh.at[dstv.at[j]], sems[s]).wait()

        for s in range(NB):
            pltpu.async_copy(hp_hbm.at[srcv.at[s]], rows[s], semg[s])

        def zrow(i, _):
            for k in range(feat // LANES):
                zbuf[i, pl.ds(k * LANES, LANES)] = jnp.zeros((LANES,), jnp.float32)
            return ()
        lax.fori_loop(0, ZR, zrow, ())
        for k in range(nz):
            pltpu.sync_copy(zbuf, acc_sh.at[pl.ds(sid * rpt + k * ZR, ZR)])
        plsc.subcore_barrier()

        def body(jj, _):
            j0 = jj * NB
            for s in range(NB):
                wait_gather(j0 + s, s)
                pltpu.async_copy(rows[s], acc_sh.at[dstv.at[j0 + s]], sems[s],
                                 add=True)
            for s in range(NB):
                wait_scatter(j0 + s, s)
                pltpu.async_copy(hp_hbm.at[srcv.at[j0 + NB + s]], rows[s],
                                 semg[s])
            return ()
        lax.fori_loop(0, nblk // NB - 1, body, ())
        j0 = nblk - NB
        for s in range(NB):
            wait_gather(j0 + s, s)
            pltpu.async_copy(rows[s], acc_sh.at[dstv.at[j0 + s]], sems[s],
                             add=True)
        for s in range(NB):
            wait_scatter(j0 + s, s)
        plsc.subcore_barrier()

        pltpu.sync_copy(acc_sh.at[pl.ds(sid * rpt, rpt)],
                        out_hbm.at[cid, pl.ds(sid * rpt, rpt)])

    return prop_kernel(hp, edges4)


def _first_layer(x, w, deg_parts, blk):
    n, dft = x.shape
    h = w.shape[1]

    def body(x_ref, w_ref, deg_ref, o_ref, dv_ref):
        d = jnp.sum(deg_ref[...], axis=(0, 2)) * (1.0 / LANES)
        dv = lax.rsqrt(d + 1.0)[:, None]
        dv_ref[...] = dv
        o_ref[...] = dv * jnp.dot(
            x_ref[...], w_ref[...], preferred_element_type=jnp.float32)

    return pl.pallas_call(
        body,
        grid=(n // blk,),
        in_specs=[
            pl.BlockSpec((blk, dft), lambda i: (i, 0)),
            pl.BlockSpec((dft, h), lambda i: (0, 0)),
            pl.BlockSpec((NC, blk, LANES), lambda i: (0, i, 0)),
        ],
        out_specs=[
            pl.BlockSpec((blk, h), lambda i: (i, 0)),
            pl.BlockSpec((blk, 1), lambda i: (i, 0)),
        ],
        out_shape=[
            jax.ShapeDtypeStruct((n, h), jnp.float32),
            jax.ShapeDtypeStruct((n, 1), jnp.float32),
        ],
    )(x, w, deg_parts)


def _mid_layer(acc, hp, dinv_col, b_row, w, blk):
    n, h = hp.shape
    h2 = w.shape[1]

    def body(a_ref, hp_ref, dv_ref, b_ref, w_ref, o_ref):
        dv = dv_ref[...]
        a = a_ref[...]
        z = dv * (a[0] + a[1] + hp_ref[...]) + b_ref[...]
        z = jnp.maximum(z, 0.0)
        o_ref[...] = dv * jnp.dot(z, w_ref[...],
                                  preferred_element_type=jnp.float32)

    return pl.pallas_call(
        body,
        grid=(n // blk,),
        in_specs=[
            pl.BlockSpec((NC, blk, h), lambda i: (0, i, 0)),
            pl.BlockSpec((blk, h), lambda i: (i, 0)),
            pl.BlockSpec((blk, 1), lambda i: (i, 0)),
            pl.BlockSpec((1, h), lambda i: (0, 0)),
            pl.BlockSpec((h, h2), lambda i: (0, 0)),
        ],
        out_specs=pl.BlockSpec((blk, h2), lambda i: (i, 0)),
        out_shape=jax.ShapeDtypeStruct((n, h2), jnp.float32),
    )(acc, hp, dinv_col, b_row, w)


def _final_layer(acc, hp, dinv_col, b_row, n_classes, blk):
    n, h = hp.shape

    def body(a_ref, hp_ref, dv_ref, b_ref, o_ref):
        a = a_ref[...]
        t = dv_ref[...] * (a[0] + a[1] + hp_ref[...])
        t = t[:, :n_classes] + b_ref[...]
        m = jnp.max(t, axis=1, keepdims=True)
        e = jnp.exp(t - m)
        lse = jnp.log(jnp.sum(e, axis=1, keepdims=True))
        o_ref[...] = t - m - lse

    return pl.pallas_call(
        body,
        grid=(n // blk,),
        in_specs=[
            pl.BlockSpec((NC, blk, h), lambda i: (0, i, 0)),
            pl.BlockSpec((blk, h), lambda i: (i, 0)),
            pl.BlockSpec((blk, 1), lambda i: (i, 0)),
            pl.BlockSpec((1, n_classes), lambda i: (0, 0)),
        ],
        out_specs=pl.BlockSpec((blk, n_classes), lambda i: (i, 0)),
        out_shape=jax.ShapeDtypeStruct((n, n_classes), jnp.float32),
    )(acc, hp, dinv_col, b_row)


def kernel(x, edge_index, W1, b1, W2, b2, Wf, bf):
    n, _ = x.shape
    e = edge_index.shape[1]
    h = W1.shape[1]
    c = Wf.shape[1]
    blk = 5000

    edges4 = edge_index.astype(jnp.int32).reshape(2, NW, 80, 125)

    n_pad = 10240
    deg_parts = _degree(edges4, e, n_pad)
    hp1, dinv_col = _first_layer(x, W1, deg_parts, blk)
    acc1 = _propagate(hp1, edges4, n_pad, e, h)
    hp2 = _mid_layer(acc1, hp1, dinv_col, b1.reshape(1, h), W2, blk)
    acc2 = _propagate(hp2, edges4, n_pad, e, h)
    c_pad = 48
    wf_pad = jnp.pad(Wf, ((0, 0), (0, c_pad - c)))
    hp3 = _mid_layer(acc2, hp2, dinv_col,
                     b2.reshape(1, h), wf_pad, blk)
    acc3 = _propagate(hp3, edges4, n_pad, e, c_pad)
    return _final_layer(acc3, hp3, dinv_col, bf.reshape(1, c), c, blk)

# --- scband reference (transcript-rebuilt; emitter-appended) ---
"""Pipeline reference for scband-dropgnn-1623497638676 (READ-ONLY COPY).

The authoritative reference and input builder live on the scoring server;
editing this copy changes nothing except your own understanding.
"""

import jax, jax.numpy as jnp
import numpy as np

N_NODES = 10000
N_EDGES = 320000
D_FEAT = 128
HIDDEN = 64
N_CLASSES = 40


def setup_inputs(seed: int = 0) -> dict:
    key = jax.random.key(seed)
    ks = jax.random.split(key, 8)
    x = jax.random.normal(ks[0], (N_NODES, D_FEAT), dtype=jnp.float32)
    edge_index = jax.random.randint(ks[1], (2, N_EDGES), 0, N_NODES, dtype=jnp.int64)
    # GCNConv weights (PyG: glorot init, lin has no bias; bias added after aggregation)
    def glorot(k, shape):
        limit = float(np.sqrt(6.0 / (shape[0] + shape[1])))
        return jax.random.uniform(k, shape, dtype=jnp.float32, minval=-limit, maxval=limit)
    W1 = glorot(ks[2], (D_FEAT, HIDDEN))
    b1 = jnp.zeros((HIDDEN,), dtype=jnp.float32)
    W2 = glorot(ks[3], (HIDDEN, HIDDEN))
    b2 = jnp.zeros((HIDDEN,), dtype=jnp.float32)
    Wf = glorot(ks[4], (HIDDEN, N_CLASSES))
    bf = jnp.zeros((N_CLASSES,), dtype=jnp.float32)
    return {"x": x, "edge_index": edge_index, "W1": W1, "b1": b1, "W2": W2, "b2": b2, "Wf": Wf, "bf": bf}


def _gcn_conv(x, edge_index, W, b):
    # Faithful PyG GCNConv: add self-loops, symmetric normalization, linear, scatter-add, bias
    n = x.shape[0]
    loops = jnp.arange(n, dtype=edge_index.dtype)
    src = jnp.concatenate([edge_index[0], loops])
    dst = jnp.concatenate([edge_index[1], loops])
    deg = jax.ops.segment_sum(jnp.ones(src.shape[0], dtype=x.dtype), dst, num_segments=n)
    dinv = jnp.where(deg > 0, 1.0 / jnp.sqrt(deg), 0.0)
    norm = dinv[src] * dinv[dst]
    h = x @ W
    msgs = h[src] * norm[:, None]
    out = jax.ops.segment_sum(msgs, dst, num_segments=n)
    return out + b


def reference(x, edge_index, W1, b1, W2, b2, Wf, bf):
    # Eval-mode forward: AdaptiveDropout and F.dropout are identity when not training
    h = x
    h = _gcn_conv(h, edge_index, W1, b1)
    h = jax.nn.relu(h)
    h = _gcn_conv(h, edge_index, W2, b2)
    h = jax.nn.relu(h)
    h = _gcn_conv(h, edge_index, Wf, bf)
    return jax.nn.log_softmax(h, axis=1)

if __name__ == "__main__":
    import jax
    _d = setup_inputs()
    print(jax.jit(kernel)(*tuple(_d.values())))

</pallas_src>

<mosaic_0001>
#map = affine_map<(d0, d1) -> (0, 0, 0, 0)>
#map1 = affine_map<(d0, d1) -> (0, 0, 0)>
module attributes {stable_mosaic.version = 14 : i64} {
  func.func @deg_kernel(%arg0: i32, %arg1: i32, %arg2: memref<2x32x80x125xi32, #tpu.memory_space<hbm>>, %arg3: memref<2x10240x16xf32, #tpu.memory_space<hbm>>, %arg4: memref<80x125xi32, #tpu.memory_space<vmem>>, %arg5: memref<125x16xf32, #tpu.memory_space<vmem>>, %arg6: memref<640x16xf32, #tpu.memory_space<vmem>>, %arg7: memref<10240x16xf32, #tpu.memory_space<vmem_shared>>, %arg8: memref<!tpu.dma_semaphore, #tpu.memory_space<semaphore_mem>>) attributes {dimension_semantics = [#tpu.dimension_semantics<core_parallel>, #tpu.dimension_semantics<subcore_parallel>], iteration_bounds = array<i64: 2, 16>, scalar_prefetch = 0 : i64, scratch_operands = 5 : i64, tpu.core_type = #tpu.core_type<sc_vector_subcore>, window_params = [{transform_indices = #map}, {transform_indices = #map1}]} {
    %mul3A = arith.constant 2 : i32
    %mul3A_0 = arith.muli %arg1, %mul3A : i32
    %add3A = arith.addi %mul3A_0, %arg0 : i32
    %run_scoped3A = arith.constant 1 : i32
    "tpu.region"() ({
      %run_scoped3A_27 = tpu.sem_alloc : memref<!tpu.dma_semaphore, #tpu.memory_space<semaphore_mem>>
      %dma_start3A = arith.constant 0 : i32
      %dma_start3A_28 = arith.constant 0 : i32
      %dma_start3A_29 = tpu.memref_slice %arg2[%run_scoped3A, %add3A, %dma_start3A, %dma_start3A_28] : memref<2x32x80x125xi32, #tpu.memory_space<hbm>> -> memref<1x1x80x125xi32, #tpu.memory_space<hbm>>
      %dma_start3A_30 = tpu.memref_squeeze %dma_start3A_29 : memref<1x1x80x125xi32, #tpu.memory_space<hbm>> -> memref<80x125xi32, #tpu.memory_space<hbm>>
      %dma_start3A_31 = arith.constant 0 : i32
      %dma_start3A_32 = arith.constant 0 : i32
      %dma_start3A_33 = tpu.memref_slice %arg2[%run_scoped3A, %add3A, %dma_start3A_31, %dma_start3A_32] : memref<2x32x80x125xi32, #tpu.memory_space<hbm>> -> memref<1x1x80x125xi32, #tpu.memory_space<hbm>>
      %dma_start3A_34 = tpu.memref_squeeze %dma_start3A_33 : memref<1x1x80x125xi32, #tpu.memory_space<hbm>> -> memref<80x125xi32, #tpu.memory_space<hbm>>
      tpu.enqueue_dma source(%dma_start3A_34 : memref<80x125xi32, #tpu.memory_space<hbm>>) target(%arg4 : memref<80x125xi32, #tpu.memory_space<vmem>>) target_semaphore(%run_scoped3A_27 : memref<!tpu.dma_semaphore, #tpu.memory_space<semaphore_mem>>)
      %dma_wait3A = arith.constant 0 : i32
      %dma_wait3A_35 = arith.constant 0 : i32
      %dma_wait3A_36 = tpu.memref_slice %arg2[%run_scoped3A, %add3A, %dma_wait3A, %dma_wait3A_35] : memref<2x32x80x125xi32, #tpu.memory_space<hbm>> -> memref<1x1x80x125xi32, #tpu.memory_space<hbm>>
      %dma_wait3A_37 = tpu.memref_squeeze %dma_wait3A_36 : memref<1x1x80x125xi32, #tpu.memory_space<hbm>> -> memref<80x125xi32, #tpu.memory_space<hbm>>
      %dma_wait3A_38 = arith.constant 0 : i32
      %dma_wait3A_39 = arith.constant 0 : i32
      %dma_wait3A_40 = tpu.memref_slice %arg2[%run_scoped3A, %add3A, %dma_wait3A_38, %dma_wait3A_39] : memref<2x32x80x125xi32, #tpu.memory_space<hbm>> -> memref<1x1x80x125xi32, #tpu.memory_space<hbm>>
      %dma_wait3A_41 = tpu.memref_squeeze %dma_wait3A_40 : memref<1x1x80x125xi32, #tpu.memory_space<hbm>> -> memref<80x125xi32, #tpu.memory_space<hbm>>
      tpu.wait_dma2 semaphore(%run_scoped3A_27 : memref<!tpu.dma_semaphore, #tpu.memory_space<semaphore_mem>>) src(%dma_wait3A_41 : memref<80x125xi32, #tpu.memory_space<hbm>>) dst(%arg4 : memref<80x125xi32, #tpu.memory_space<vmem>>)
      tpu.yield
    }) : () -> ()
    %scan3A = arith.constant 0 : i32
    %scan3A_1 = arith.constant 640 : i32
    %scan3A_2 = arith.addi %scan3A, %scan3A_1 : i32
    %scan3A_3 = arith.constant 1 : i32
    scf.for %scan3A_27 = %scan3A to %scan3A_2 step %scan3A_3  : i32 {
      %broadcast_in_dim3A = arith.constant 0.000000e+00 : f32
      %broadcast_in_dim3A_28 = vector.broadcast %broadcast_in_dim3A : f32 to vector<16xf32>
      %swap3A = arith.index_cast %scan3A_27 : i32 to index
      %swap3A_29 = arith.constant 0 : index
      %swap3A_30 = tpu.vector_load %arg6[%swap3A, %swap3A_29] {strides = array<i32>} : memref<640x16xf32, #tpu.memory_space<vmem>>, vector<1x16xf32>,
      %swap3A_31 = vector.shape_cast %swap3A_30 : vector<1x16xf32> to vector<16xf32>
      %swap3A_32 = vector.shape_cast %broadcast_in_dim3A_28 : vector<16xf32> to vector<1x16xf32>
      tpu.vector_store %arg6[%swap3A, %swap3A_29], %swap3A_32 {strides = array<i32>} : memref<640x16xf32, #tpu.memory_space<vmem>>, vector<1x16xf32>,
    }
    %scan3A_4 = arith.constant 640 : i32
    %scan3A_5 = arith.constant 0 : i32
    %scan3A_6 = arith.constant 125 : i32
    %scan3A_7 = arith.addi %scan3A_5, %scan3A_6 : i32
    %scan3A_8 = arith.constant 1 : i32
    scf.for %scan3A_27 = %scan3A_5 to %scan3A_7 step %scan3A_8  : i32 {
      %broadcast_in_dim3A = arith.constant 1.000000e+00 : f32
      %broadcast_in_dim3A_28 = vector.broadcast %broadcast_in_dim3A : f32 to vector<16xf32>
      %swap3A = arith.index_cast %scan3A_27 : i32 to index
      %swap3A_29 = arith.constant 0 : index
      %swap3A_30 = tpu.vector_load %arg5[%swap3A, %swap3A_29] {strides = array<i32>} : memref<125x16xf32, #tpu.memory_space<vmem>>, vector<1x16xf32>,
      %swap3A_31 = vector.shape_cast %swap3A_30 : vector<1x16xf32> to vector<16xf32>
      %swap3A_32 = vector.shape_cast %broadcast_in_dim3A_28 : vector<16xf32> to vector<1x16xf32>
      tpu.vector_store %arg5[%swap3A, %swap3A_29], %swap3A_32 {strides = array<i32>} : memref<125x16xf32, #tpu.memory_space<vmem>>, vector<1x16xf32>,
    }
    %scan3A_9 = arith.constant 125 : i32
    %mul3A_10 = arith.constant 640 : i32
    %mul3A_11 = arith.muli %arg1, %mul3A_10 : i32
    "tpu.region"() ({
      %run_scoped3A_27 = tpu.sem_alloc : memref<!tpu.dma_semaphore, #tpu.memory_space<semaphore_mem>>
      %dma_start3A = arith.constant 0 : i32
      %dma_start3A_28 = tpu.memref_slice %arg7[%mul3A_11, %dma_start3A] : memref<10240x16xf32, #tpu.memory_space<vmem_shared>> -> memref<640x16xf32, #tpu.memory_space<vmem_shared>>
      %dma_start3A_29 = arith.constant 0 : i32
      %dma_start3A_30 = tpu.memref_slice %arg7[%mul3A_11, %dma_start3A_29] : memref<10240x16xf32, #tpu.memory_space<vmem_shared>> -> memref<640x16xf32, #tpu.memory_space<vmem_shared>>
      tpu.enqueue_dma source(%arg6 : memref<640x16xf32, #tpu.memory_space<vmem>>) target(%dma_start3A_30 : memref<640x16xf32, #tpu.memory_space<vmem_shared>>) target_semaphore(%run_scoped3A_27 : memref<!tpu.dma_semaphore, #tpu.memory_space<semaphore_mem>>)
      %dma_wait3A = arith.constant 0 : i32
      %dma_wait3A_31 = tpu.memref_slice %arg7[%mul3A_11, %dma_wait3A] : memref<10240x16xf32, #tpu.memory_space<vmem_shared>> -> memref<640x16xf32, #tpu.memory_space<vmem_shared>>
      %dma_wait3A_32 = arith.constant 0 : i32
      %dma_wait3A_33 = tpu.memref_slice %arg7[%mul3A_11, %dma_wait3A_32] : memref<10240x16xf32, #tpu.memory_space<vmem_shared>> -> memref<640x16xf32, #tpu.memory_space<vmem_shared>>
      tpu.wait_dma2 semaphore(%run_scoped3A_27 : memref<!tpu.dma_semaphore, #tpu.memory_space<semaphore_mem>>) src(%arg6 : memref<640x16xf32, #tpu.memory_space<vmem>>) dst(%dma_wait3A_33 : memref<640x16xf32, #tpu.memory_space<vmem_shared>>)
      tpu.yield
    }) : () -> ()
    %barrier3A = arith.constant 0 : index
    tpu.barrier barrier_id(%barrier3A)
    %scan3A_12 = arith.constant 0 : i32
    %scan3A_13 = arith.constant 80 : i32
    %scan3A_14 = arith.addi %scan3A_12, %scan3A_13 : i32
    %scan3A_15 = arith.constant 1 : i32
    scf.for %scan3A_27 = %scan3A_12 to %scan3A_14 step %scan3A_15  : i32 {
      %dma_start3A = arith.constant 0 : i32
      %dma_start3A_28 = tpu.memref_slice %arg4[%scan3A_27, %dma_start3A] : memref<80x125xi32, #tpu.memory_space<vmem>> -> memref<1x125xi32, #tpu.memory_space<vmem>>
      %dma_start3A_29 = tpu.memref_squeeze %dma_start3A_28 : memref<1x125xi32, #tpu.memory_space<vmem>> -> memref<125xi32, #tpu.memory_space<vmem>>
      %dma_start3A_30 = arith.constant 0 : i32
      %dma_start3A_31 = arith.constant 0 : i32
      %dma_start3A_32 = tpu.memref_slice %arg7[%dma_start3A_30, %dma_start3A_31] : memref<10240x16xf32, #tpu.memory_space<vmem_shared>> -> memref<10240x16xf32, #tpu.memory_space<vmem_shared>>
      tpu.enqueue_indirect_dma source(%arg5 : memref<125x16xf32, #tpu.memory_space<vmem>>) target(%dma_start3A_32 : memref<10240x16xf32, #tpu.memory_space<vmem_shared>>) offsets(%dma_start3A_29 : memref<125xi32, #tpu.memory_space<vmem>>) semaphore(%arg8 : memref<!tpu.dma_semaphore, #tpu.memory_space<semaphore_mem>>) {add = true}
      %ge3A = arith.constant 16 : i32
      %ge3A_33 = arith.cmpi sge, %scan3A_27, %ge3A : i32
      %convert_element_type3A = arith.extui %ge3A_33 : i1 to i32
      %cond3A = arith.constant 0 : i32
      %cond3A_34 = arith.cmpi ne, %convert_element_type3A, %cond3A : i32
      scf.if %cond3A_34 {
        %sub3A = arith.constant 16 : i32
        %sub3A_35 = arith.subi %scan3A_27, %sub3A : i32
        %dma_wait3A = arith.constant 0 : i32
        %dma_wait3A_36 = tpu.memref_slice %arg4[%sub3A_35, %dma_wait3A] : memref<80x125xi32, #tpu.memory_space<vmem>> -> memref<1x125xi32, #tpu.memory_space<vmem>>
        %dma_wait3A_37 = tpu.memref_squeeze %dma_wait3A_36 : memref<1x125xi32, #tpu.memory_space<vmem>> -> memref<125xi32, #tpu.memory_space<vmem>>
        %dma_wait3A_38 = arith.constant 0 : i32
        %dma_wait3A_39 = arith.constant 0 : i32
        %dma_wait3A_40 = tpu.memref_slice %arg7[%dma_wait3A_38, %dma_wait3A_39] : memref<10240x16xf32, #tpu.memory_space<vmem_shared>> -> memref<10240x16xf32, #tpu.memory_space<vmem_shared>>
        tpu.wait_indirect_dma semaphore(%arg8 : memref<!tpu.dma_semaphore, #tpu.memory_space<semaphore_mem>>) src(%arg5 : memref<125x16xf32, #tpu.memory_space<vmem>>) dst(%dma_wait3A_40 : memref<10240x16xf32, #tpu.memory_space<vmem_shared>>)
      } else {
      }
    }
    %scan3A_16 = arith.constant 80 : i32
    %scan3A_17 = arith.constant 64 : i32
    %scan3A_18 = arith.constant 16 : i32
    %scan3A_19 = arith.addi %scan3A_17, %scan3A_18 : i32
    %scan3A_20 = arith.constant 1 : i32
    scf.for %scan3A_27 = %scan3A_17 to %scan3A_19 step %scan3A_20  : i32 {
      %dma_wait3A = arith.constant 0 : i32
      %dma_wait3A_28 = tpu.memref_slice %arg4[%scan3A_27, %dma_wait3A] : memref<80x125xi32, #tpu.memory_space<vmem>> -> memref<1x125xi32, #tpu.memory_space<vmem>>
      %dma_wait3A_29 = tpu.memref_squeeze %dma_wait3A_28 : memref<1x125xi32, #tpu.memory_space<vmem>> -> memref<125xi32, #tpu.memory_space<vmem>>
      %dma_wait3A_30 = arith.constant 0 : i32
      %dma_wait3A_31 = arith.constant 0 : i32
      %dma_wait3A_32 = tpu.memref_slice %arg7[%dma_wait3A_30, %dma_wait3A_31] : memref<10240x16xf32, #tpu.memory_space<vmem_shared>> -> memref<10240x16xf32, #tpu.memory_space<vmem_shared>>
      tpu.wait_indirect_dma semaphore(%arg8 : memref<!tpu.dma_semaphore, #tpu.memory_space<semaphore_mem>>) src(%arg5 : memref<125x16xf32, #tpu.memory_space<vmem>>) dst(%dma_wait3A_32 : memref<10240x16xf32, #tpu.memory_space<vmem_shared>>)
    }
    %scan3A_21 = arith.constant 16 : i32
    %barrier3A_22 = arith.constant 0 : index
    tpu.barrier barrier_id(%barrier3A_22)
    %mul3A_23 = arith.constant 640 : i32
    %mul3A_24 = arith.muli %arg1, %mul3A_23 : i32
    %mul3A_25 = arith.constant 640 : i32
    %mul3A_26 = arith.muli %arg1, %mul3A_25 : i32
    "tpu.region"() ({
      %run_scoped3A_27 = tpu.sem_alloc : memref<!tpu.dma_semaphore, #tpu.memory_space<semaphore_mem>>
      %dma_start3A = arith.constant 0 : i32
      %dma_start3A_28 = tpu.memref_slice %arg3[%arg0, %mul3A_26, %dma_start3A] : memref<2x10240x16xf32, #tpu.memory_space<hbm>> -> memref<1x640x16xf32, #tpu.memory_space<hbm>>
      %dma_start3A_29 = tpu.memref_squeeze %dma_start3A_28 : memref<1x640x16xf32, #tpu.memory_space<hbm>> -> memref<640x16xf32, #tpu.memory_space<hbm>>
      %dma_start3A_30 = arith.constant 0 : i32
      %dma_start3A_31 = tpu.memref_slice %arg7[%mul3A_24, %dma_start3A_30] : memref<10240x16xf32, #tpu.memory_space<vmem_shared>> -> memref<640x16xf32, #tpu.memory_space<vmem_shared>>
      tpu.enqueue_dma source(%dma_start3A_31 : memref<640x16xf32, #tpu.memory_space<vmem_shared>>) target(%dma_start3A_29 : memref<640x16xf32, #tpu.memory_space<hbm>>) target_semaphore(%run_scoped3A_27 : memref<!tpu.dma_semaphore, #tpu.memory_space<semaphore_mem>>)
      %dma_wait3A = arith.constant 0 : i32
      %dma_wait3A_32 = tpu.memref_slice %arg3[%arg0, %mul3A_26, %dma_wait3A] : memref<2x10240x16xf32, #tpu.memory_space<hbm>> -> memref<1x640x16xf32, #tpu.memory_space<hbm>>
      %dma_wait3A_33 = tpu.memref_squeeze %dma_wait3A_32 : memref<1x640x16xf32, #tpu.memory_space<hbm>> -> memref<640x16xf32, #tpu.memory_space<hbm>>
      %dma_wait3A_34 = arith.constant 0 : i32
      %dma_wait3A_35 = tpu.memref_slice %arg7[%mul3A_24, %dma_wait3A_34] : memref<10240x16xf32, #tpu.memory_space<vmem_shared>> -> memref<640x16xf32, #tpu.memory_space<vmem_shared>>
      tpu.wait_dma2 semaphore(%run_scoped3A_27 : memref<!tpu.dma_semaphore, #tpu.memory_space<semaphore_mem>>) src(%dma_wait3A_35 : memref<640x16xf32, #tpu.memory_space<vmem_shared>>) dst(%dma_wait3A_33 : memref<640x16xf32, #tpu.memory_space<hbm>>)
      tpu.yield
    }) : () -> ()
    return
  }
}

</mosaic_0001>

<sc_bundles>
// kernel: _degree.3.cloned.1.call-start
scs
__scs_entry_jumppad:
0x0: {  	(pc) =	sbr.rel $0x88, $3  }
0x1: {  	(tag) =	ssettag $0x0;
	lr =	simm.s32 $0x1  }
0x2: {  	[smem:$0x3FA0] =	sst lr;
	_ =	strace $0xD0000000  }
0x3: {  	_ = 	snop  }
0x4: {  	_ = 	snop  }
0x5: {  	_ = 	snop  }
0x6: {  	_ = 	snop  }
0x7: {  	_ = 	snop  }
__scs_overlays_trampoline_lowered:
0x8: {  	[smem:$0x3FAF] =	sst s0  }
0x9: {  	[smem:$0x3FB0] =	sst s1  }
0xa: {  	[smem:$0x3FB1] =	sst s2  }
0xb: {  	[smem:$0x3FB2] =	sst s3  }
0xc: {  	[smem:$0x3FB3] =	sst s4  }
0xd: {  	[smem:$0x3FB4] =	sst s5  }
0xe: {  	[smem:$0x3FB5] =	sst s6  }
0xf: {  	[smem:$0x3FB6] =	sst s7  }
0x10: {  	[smem:$0x3FB7] =	sst s8  }
0x11: {  	[smem:$0x3FB8] =	sst s9;
	s0 =	simm.s32 @!p0 $0x0  }
0x12: {  	s1 =	sld [smem:$0x3F9E];
	s0 =	simm.s32 @p0 $0x1  }
0x13: {  	[smem:$0x3FB9] =	sst s0;
	s0 =	simm.s32 @!p1 $0x0  }
0x14: {  	s2 =	sld [smem:$0x3F9D];
	s0 =	simm.s32 @p1 $0x1  }
0x15: {  	[smem:$0x3FBA] =	sst s0;
	s0 =	simm.s32 @!p2 $0x0  }
0x16: {  	s3 =	sld [smem:$0x3FDB];
	s0 =	simm.s32 @p2 $0x1  }
0x17: {  	s4 =	simm.s32 $0x1BF5;
	[smem:$0x3FBC] =	sst s0  }
0x18: {  	s0 =	sld [smem:$0x3F9F];
	_ =	swait.ge [sflag:s4], $0x0  }
0x19: {  	s7 =	sld [smem:$0x3FA0]  }
0x1a: {  	s8 =	sadd.s32 $0xFFFFE003, lr  }
0x1b: {  	s9 =	sadd.s32 $0xFFFFFEF7, lr;
	s5 =	simm.s32 $0xFFFFFFFF;
	p2 =	slt.u32 s8, $0xFFFFF086  }
0x1c: {  	p1 =	slt.u32 s9, $0xF7A;
	s5 =	simm.s32 @!p2 $0x0  }
0x1d: {  	s5 =	simm.s32 @p1 $0x1;
	p0 =	seq.s32 s7, s2  }
0x1e: {  	s7 =	smul.u32 @!p0 $0xF7A, s2;
	p2 =	seq.s32 @!p0 s5, $0x0  }
0x1f: {  	s9 =	smul.u32 $0xF7A, s1;
	s8 =	simm.s32 @!p0 $0x1BF5;
	p2 =	por !p2, p0  }
0x20: {  	[sflag:s8] =	ssyncset.s32 @!p0 $0xFFFFF086;
	s6 =	sadd.s32 @!p0 s3, s7;
	s7 =	simm.s32 @!p0 $0x108  }
0x21: {  	s3 =	sadd.s32 s3, s9;
	s6 =	sadd.s32 @!p0 $0x88, s6;
	s7 =	simm.s32 @p2 $0x1082  }
0x22: {  	[simem:s7], [sflag:s8] =	dma.local @!p0 [hbm:s6], $0xF7A  }
0x23: {  	s9 =	sor.u32 $0xD0000000, s2;
	s6 =	simm.s32 $0x108;
	_ =	swait.ge @!p0 [sflag:s8], $0x0  }
0x24: {  	s3 =	sadd.s32 $0x88, s3;
	s6 =	simm.s32 @!p1 $0x1082;
	[sflag:s4] =	ssyncset.s32 $0xFFFFF086  }
0x25: {  	[simem:s6], [sflag:s4] =	dma.local [hbm:s3], $0xF7A  }
0x26: {  	[smem:$0x3FA0] =	sst s1;
	(tag) =	ssettag s2;
	_ =	strace s9  }
0x27: {  	s1 =	sld [smem:$0x3FB0]  }
0x28: {  	s2 =	sld [smem:$0x3FB1]  }
0x29: {  	s4 =	sld [smem:$0x3FB3]  }
0x2a: {  	p0 =	seq.s32 s5, $0x0;
	s5 =	sld [smem:$0x3FB4]  }
0x2b: {  	s6 =	sld [smem:$0x3FB5]  }
0x2c: {  	s7 =	sld [smem:$0x3FB6]  }
0x2d: {  	s3 =	simm.s32 $0x108;
	s8 =	sld [smem:$0x3FB7]  }
0x2e: {  	s3 =	simm.s32 @!p0 $0x1082;
	s9 =	sld [smem:$0x3FB8]  }
0x2f: {  	lr =	sadd.s32 s0, s3;
	s0 =	sld [smem:$0x3FAF]  }
0x30: {  	s3 =	sld [smem:$0x3FB2]  }
0x31: {  	[smem:$0x3FBB] =	sst s10  }
0x32: {  	s10 =	sld [smem:$0x3FB9];
	_ =	sdelay $0x3  }
0x33: {  	p0 =	seq.s32 s10, $0x1;
	s10 =	sld [smem:$0x3FBB];
	_ =	sdelay $0x3  }
0x34: {  	[smem:$0x3FBB] =	sst s10  }
0x35: {  	s10 =	sld [smem:$0x3FBA];
	_ =	sdelay $0x3  }
0x36: {  	p1 =	seq.s32 s10, $0x1;
	s10 =	sld [smem:$0x3FBB];
	_ =	sdelay $0x3  }
0x37: {  	[smem:$0x3FBB] =	sst s10  }
0x38: {  	s10 =	sld [smem:$0x3FBC]  }
0x39: {  	_ = 	snop;
	(pc) =	sbr.ind lr, $3  }
0x3a: {  	_ = 	snop  }
0x3b: {  	_ = 	snop  }
0x3c: {  	p2 =	seq.s32 s10, $0x1;
	s10 =	sld [smem:$0x3FBB]  }
0x3d: {  	_ =	shalt  }
0x3e: {  	_ =	shalt  }
0x3f: {  	_ =	shalt  }
0x40: {  	_ =	shalt  }
0x41: {  	_ =	shalt  }
0x42: {  	_ =	shalt  }
0x43: {  	_ =	shalt  }
0x44: {  	_ =	shalt  }
0x45: {  	_ =	shalt  }
0x46: {  	_ =	shalt  }
0x47: {  	_ =	shalt  }
0x48: {  	_ =	shalt  }
0x49: {  	_ =	shalt  }
0x4a: {  	_ =	shalt  }
0x4b: {  	_ =	shalt  }
0x4c: {  	_ =	shalt  }
0x4d: {  	_ =	shalt  }
0x4e: {  	_ =	shalt  }
0x4f: {  	_ =	shalt  }
0x50: {  	_ =	shalt  }
0x51: {  	_ =	shalt  }
0x52: {  	_ =	shalt  }
0x53: {  	_ =	shalt  }
0x54: {  	_ =	shalt  }
0x55: {  	_ =	shalt  }
0x56: {  	_ =	shalt  }
0x57: {  	_ =	shalt  }
0x58: {  	_ =	shalt  }
0x59: {  	_ =	shalt  }
0x5a: {  	_ =	shalt  }
0x5b: {  	_ =	shalt  }
0x5c: {  	_ =	shalt  }
0x5d: {  	_ =	shalt  }
0x5e: {  	_ =	shalt  }
0x5f: {  	_ =	shalt  }
0x60: {  	_ =	shalt  }
0x61: {  	_ =	shalt  }
0x62: {  	_ =	shalt  }
0x63: {  	_ =	shalt  }
0x64: {  	_ =	shalt  }
0x65: {  	_ =	shalt  }
0x66: {  	_ =	shalt  }
0x67: {  	_ =	shalt  }
0x68: {  	_ =	shalt  }
0x69: {  	_ =	shalt  }
0x6a: {  	_ =	shalt  }
0x6b: {  	_ =	shalt  }
0x6c: {  	_ =	shalt  }
0x6d: {  	_ =	shalt  }
0x6e: {  	_ =	shalt  }
0x6f: {  	_ =	shalt  }
0x70: {  	_ =	shalt  }
0x71: {  	_ =	shalt  }
0x72: {  	_ =	shalt  }
0x73: {  	_ =	shalt  }
0x74: {  	_ =	shalt  }
0x75: {  	_ =	shalt  }
0x76: {  	_ =	shalt  }
0x77: {  	_ =	shalt  }
0x78: {  	_ =	shalt  }
0x79: {  	_ =	shalt  }
0x7a: {  	_ =	shalt  }
0x7b: {  	_ =	shalt  }
0x7c: {  	_ =	shalt  }
0x7d: {  	_ =	shalt  }
0x7e: {  	_ =	shalt  }
0x7f: {  	_ =	shalt  }
0x80: {  	_ =	shalt  }
0x81: {  	_ =	shalt  }
0x82: {  	_ =	shalt  }
0x83: {  	_ =	shalt  }
0x84: {  	_ =	shalt  }
0x85: {  	_ =	shalt  }
0x86: {  	_ =	shalt  }
0x87: {  	_ =	shalt  }
.Lfunc_end0:
.L_simem_size_0:
called_computation_lowered:
.L_overlay_start_0:
0x88: {  	s2 =	sld [smem:$0x3FD9]  }
0x89: {  	s3 =	sld [smem:$0x3FFE];
	_ =	sdelay $0x1  }
0x8a: {  	s1 =	srdreg.scid  }
0x8b: {  	s0 =	sand.u32 $0x1, s1  }
0x8c: {  	s17 =	sshll.u32 s0, $0xA;
	s2 =	sadd.s32 s3, s2  }
0x8d: {  	s2 =	sadd.s32 s2, s17  }
0x8e: {  	[smem:$0x3FC7] =	sst s2  }
0x8f: {  	_ = 	snop  }
0x90: {  	s2 =	sld [smem:$0x3FD0];
	(tm) =	ssettm $0x1  }
0x91: {  	s18 =	sld [smem:$0x3FFB];
	_ =	sdelay $0x3  }
0x92: {  	_ =	strace s18  }
0x93: {  	s3 =	sld [smem:$0x3FFC];
	_ =	sdelay $0x3  }
0x94: {  	_ =	strace s3  }
0x95: {  	s3 =	sld [smem:$0x3FFD];
	_ =	sdelay $0x3  }
0x96: {  	_ =	strace s3  }
0x97: {  	_ =	strace $0x8FFFFFFF  }
0x98: {  	s19 =	sld [smem:$0x3FDB];
	_ =	sdelay $0x1  }
0x99: {  	s4 =	simm.s32 $_scs_section_size  }
0x9a: {  	s5 =	simm.s32 $_size__tile_overlayer_lowered;
	s6 =	simm.s32 $_tile_overlayer_lowered  }
0x9b: {  	s22 =	simm.s32 $0x1BFF;
	s21 =	sshll.u32 s6, $0x1;
	s3 =	sadd.s32 s4, s19  }
0x9c: {  	s7 =	simm.s32 $0x0;
	s20 =	sshll.u32 s5, $0x1;
	s5 =	sadd.s32 s21, s3  }
0x9d: {  	[timem:s7], [sflag:s22] =	dma.local [hbm:s5], s20  }
0x9e: {  	_ =	swait.ge [sflag:s22], s20  }
0x9f: {  	s4 =	ssub.s32 $0x0, s20;
	[sflag:s22] =	ssyncset.done $0x0  }
0xa0: {  	[sflag:s22] =	ssyncadd.s32 s4;
	_ =	sdelay $0x1  }
0xa1: {  	s23 =	simm.s32 $0x1B8B  }
0xa2: {  	_ =	swait.ge [sflag:s23], $0x1  }
0xa3: {  	[sflag:s23] =	ssyncset.done $0x0  }
0xa4: {  	s25 =	simm.s32 $0x1B8E;
	s24 =	sld [smem:$0x3FFE];
	[sflag:s23] =	ssyncadd.s32 $0xFFFFFFFF  }
0xa5: {  	s26 =	simm.s32 $execute0_lowered;
	[smem:$0x3FD2] =	sst s25  }
0xa6: {  	s5 =	sshll.u32 s26, $0x1;
	_ =	strace $0x80000046;
	[dreg:$0x1] =	wrdreg $0xFFFFFFFF  }
0xa7: {  	s28 =	simm.s32 $_size_execute0_lowered;
	s3 =	sadd.s32 s3, s5;
	[dreg:$0x0] =	wrdreg $0x0  }
0xa8: {  	s5 =	sshll.u32 s28, $0x1;
	[dreg:$0x2] =	wrdreg s3  }
0xa9: {  	[dreg:$0x3] =	wrdreg s5  }
0xaa: {  	[dreg:$0x4] =	wrdreg $0xC0  }
0xab: {  	_ =	task [dreg:s7], $0x5FFFF  }
0xac: {  	[dreg:$0x1] =	wrdreg $0xFFFFFFFF  }
0xad: {  	[dreg:$0x0] =	wrdreg $0x60  }
0xae: {  	[dreg:$0x2] =	wrdreg s24  }
0xaf: {  	[dreg:$0x3] =	wrdreg s2  }
0xb0: {  	[dreg:$0x4] =	wrdreg $0x57D00  }
0xb1: {  	[dreg:$0x5] =	wrdreg $0x9  }
0xb2: {  	_ =	task.clear_ibuf [dreg:s7], $0x6FFFF;
	_ =	strace $0x90000046  }
0xb3: {  	s29 =	simm.s32 $0x9;
	_ =	strace $0x80000048  }
0xb4: {  	_ =	swait.ge [sflag:s29], $0x1  }
0xb5: {  	[sflag:s29] =	ssyncadd.s32 $0xFFFFFFFF  }
0xb6: {  	_ =	strace $0x90000048  }
0xb7: {  	_ =	sfence  }
0xb8: {  	s30 =	sld [smem:$0x0];
	_ =	sdelay $0x2  }
0xb9: {  	s31 =	sshll.u32 s1, $0xD;
	s1 =	sshrl.u32 s1, $0x2  }
0xba: {  	s3 =	sand.u32 $0x4000, s31;
	s1 =	sadd.s32 s1, s30  }
0xbb: {  	s0 =	sor.u32 s3, s0;
	s1 =	sshll.u32 s1, $0x11  }
0xbc: {  	s0 =	sor.u32 s1, s0  }
0xbd: {  	s0 =	sadd.s32 $0x8F2B, s0  }
0xbe: {  	[sflag:s0] =	ssyncadd.remote.s32 $0x1  }
0xbf: {  	_ =	sfence.sel $0xFFFF  }
0xc0: {  	[dreg:$0x0] =	wrdreg $0xFFFFFFFF;
	(pc) =	sbr.abs _section_cstart, $3  }
0xc1: {  	[dreg:$0x1] =	wrdreg $0xFFFFFFFF  }
0xc2: {  	_ =	task.clear_ibuf [dreg:s7], $0x2FFFF;
	_ =	strace $0x9FFFFFFF  }
0xc3: {  	(tm) =	ssettm $0x7FFFFFFF  }
tec
execute0_lowered:
.L_overlay_start_1:
0x0: {  	(tag) =	ssettag $0x1  }
0x1: {  	s4 =	rddreg [dreg:$0x0]  }
0x2: {  	s1 =	srdreg.scid;
	s6 =	rddreg [dreg:$0x1]  }
0x3: {  	s0 =	stileid.u32;
	s2 =	rddreg [dreg:$0x2]  }
0x4: {  	s3 =	simm.s32 $0x0;
	s11 =	simm.s32 $0x2800;
	s12 =	simm.s32 $0x1  }
0x5: {  	s15 =	simm.s32 $0x0;
	s5 =	sand.u32 $0x1, s1;
	s29 =	sshll.u32 s0, $0x1  }
0x6: {  	s8 =	smul.u32 $0x2800, s0;
	[smem:$0x7FF] =	sst s3;
	s13 =	sshll.u32 s0, $0x6  }
0x7: {  	s1 =	sor.u32 s5, s29;
	s9 =	smul.u32 $0x28000, s5;
	s5 =	ssub.s32 $0x2, s5  }
0x8: {  	s13 =	sor.u32 $0x1C02, s13;
	s7 =	smul.u32 $0x2800, s1;
	s1 =	rddreg [dreg:$0x3]  }
0x9: {  	_ =	strace $0x80000047;
	s10 =	sshrl.u32 s5, $0x1;
	s30 =	sadd.s32 s8, s9  }
0xa: {  	s31 =	ssub.s32 s5, s10;
	s5 =	sadd.s32 s8, s2;
	s8 =	simm.s32 $0x2  }
0xb: {  	s9 =	simm.s32 $0x2FD0;
	s10 =	simm.s32 $0x7D;
	s7 =	sshrl.u32 s7, $0x3  }
0xc: {  	s14 =	sshrl.u32 s5, $0x3;
	s4 =	sadd.s32 s4, s7;
	s7 =	sshrl.u32 s30, $0x3  }
0xd: {  	v0 =	vimm.f32 $0.0e+00;
	v1 =	vimm.f32 $1.000000000e+00;
	s4 =	sadd.s32 $0xA400, s4;
	s6 =	sadd.s32 s6, s7;
	s7 =	smax.u32 s31, $0x1  }
.LBB2_1:
0xe: {  	[tilespmem:s3], [sflag:$0x2] =	stream.linear.gather [hbm4b:s4+s3], $0x2800, $0x38;
	[tilespmem:$0x7FD0] =	vst v63  }
0xf: {  	_ =	swait.ge [sflag:s8], $0x2800  }
0x10: {  	[sflag:s8] =	ssyncset.done $0x0  }
0x11: {  	s16 =	simm.s32 $0x0;
	[sflag:s8] =	ssyncadd.s32 $0xFFFFD800  }
.LBB2_2:
0x12: {  	p0 =	sne.s32 s16, $0x9FC0  }
.Ltmp0:
0x13: {  	_ = 	snop;
	(pc) =	sbr.rel @p0 .LBB2_2-.Ltmp0, $3  }
0x14: {  	_ =	sdelay $0x1  }
0x15: {  	s17 =	sshra.s32 s16, $0x2  }
0x16: {  	s16 =	sadd.s32 $0x40, s16;
	[tilespmem:s17+$0x2FD0] =	vst v0  }
0x17: {  	s16 =	simm.s32 $0x40;
	s17 =	simm.s32 $0x0  }
.LBB2_4:
0x18: {  	p0 =	sne.s32 s16, $0x1F00;
	[tilespmem:s17+$0x2800] =	vst v1;
	s17 =	smov.u32 s16;
	s16 =	sadd.s32 $0x40, s16  }
.Ltmp1:
0x19: {  	(pc) =	sbr.rel @p0 .LBB2_4-.Ltmp1, $2  }
0x1a: {  	_ =	sdelay $0x2  }
0x1b: {  	s17 =	sshra.s32 s17, $0x2  }
0x1c: {  	[tilespmem:s17+$0x2800] =	vst v1  }
0x1d: {  	[spmem:s5] =	stream.linear.scatter [tilespmem:s9], [sflag:$0x2], $0x2800, $0x38;
	[tilespmem:$0x7FD0] =	vst v63  }
0x1e: {  	_ =	swait.ge [sflag:s8], $0x2800  }
0x1f: {  	[sflag:s8] =	ssyncset.done $0x0  }
0x20: {  	p0 =	por $0x1, $0x1;
	[sflag:s8] =	ssyncadd.s32 $0xFFFFD800  }
0x21: {  	s16 =	simm.s32 $0x0;
	s18 =	simm.s32 @!p0 $0x1;
	[bflag:$0x0] =	sbarrier.arrive $0xFFFF  }
0x22: {  	[spmem:s2] =	stream.indirect.scatter.add.f32 [tilespmem:s11], [sflag:$0x1], $0x10, s16, s10, $0xb8;
	[tilespmem:$0x7FD0] =	vst v63  }
0x23: {  	_ =	swait.ge @!p0 [sflag:s18], $0x7D0  }
0x24: {  	s17 =	simm.s32 $0x1;
	[sflag:s18] =	ssyncset.done @!p0 $0x0  }
.LBB2_6:
0x25: {  	[sflag:s18] =	ssyncadd.s32 @!p0 $0xFFFFF830  }
0x26: {  	s16 =	sadd.s32 $0x80, s16;
	s18 =	smov.u32 s17;
	s17 =	sadd.s32 $0x1, s17  }
0x27: {  	p1 =	sne.s32 s17, $0x50  }
0x28: {  	[spmem:s2] =	stream.indirect.scatter.add.f32 [tilespmem:s11], [sflag:$0x1], $0x10, s16, s10, $0xb8;
	[tilespmem:$0x7FD0] =	vst v63  }
.Ltmp2:
0x29: {  	_ = 	snop;
	(pc) =	sbr.rel @p1 .LBB2_6-.Ltmp2, $4  }
0x2a: {  	p0 =	slt.u32 s18, $0x10  }
0x2b: {  	s18 =	simm.s32 @!p0 $0x1  }
0x2c: {  	_ =	swait.ge @!p0 [sflag:s18], $0x7D0  }
0x2d: {  	[sflag:s18] =	ssyncset.done @!p0 $0x0  }
0x2e: {  	[sflag:s18] =	ssyncadd.s32 @!p0 $0xFFFFF830  }
0x2f: {  	_ =	swait.ge [sflag:s12], $0x7D0  }
0x30: {  	[sflag:s12] =	ssyncset.done $0x0  }
0x31: {  	[sflag:s12] =	ssyncadd.s32 $0xFFFFF830  }
0x32: {  	_ =	swait.ge [sflag:s12], $0x7D0  }
0x33: {  	[sflag:s12] =	ssyncset.done $0x0  }
0x34: {  	[sflag:s12] =	ssyncadd.s32 $0xFFFFF830  }
0x35: {  	_ =	swait.ge [sflag:s12], $0x7D0  }
0x36: {  	[sflag:s12] =	ssyncset.done $0x0  }
0x37: {  	[sflag:s12] =	ssyncadd.s32 $0xFFFFF830  }
0x38: {  	_ =	swait.ge [sflag:s12], $0x7D0  }
0x39: {  	[sflag:s12] =	ssyncset.done $0x0  }
0x3a: {  	[sflag:s12] =	ssyncadd.s32 $0xFFFFF830  }
0x3b: {  	_ =	swait.ge [sflag:s12], $0x7D0  }
0x3c: {  	[sflag:s12] =	ssyncset.done $0x0  }
0x3d: {  	[sflag:s12] =	ssyncadd.s32 $0xFFFFF830  }
0x3e: {  	_ =	swait.ge [sflag:s12], $0x7D0  }
0x3f: {  	[sflag:s12] =	ssyncset.done $0x0  }
0x40: {  	[sflag:s12] =	ssyncadd.s32 $0xFFFFF830  }
0x41: {  	_ =	swait.ge [sflag:s12], $0x7D0  }
0x42: {  	[sflag:s12] =	ssyncset.done $0x0  }
0x43: {  	[sflag:s12] =	ssyncadd.s32 $0xFFFFF830  }
0x44: {  	_ =	swait.ge [sflag:s12], $0x7D0  }
0x45: {  	[sflag:s12] =	ssyncset.done $0x0  }
0x46: {  	[sflag:s12] =	ssyncadd.s32 $0xFFFFF830  }
0x47: {  	_ =	swait.ge [sflag:s12], $0x7D0  }
0x48: {  	[sflag:s12] =	ssyncset.done $0x0  }
0x49: {  	[sflag:s12] =	ssyncadd.s32 $0xFFFFF830  }
0x4a: {  	_ =	swait.ge [sflag:s12], $0x7D0  }
0x4b: {  	[sflag:s12] =	ssyncset.done $0x0  }
0x4c: {  	[sflag:s12] =	ssyncadd.s32 $0xFFFFF830  }
0x4d: {  	_ =	swait.ge [sflag:s12], $0x7D0  }
0x4e: {  	[sflag:s12] =	ssyncset.done $0x0  }
0x4f: {  	[sflag:s12] =	ssyncadd.s32 $0xFFFFF830  }
0x50: {  	_ =	swait.ge [sflag:s12], $0x7D0  }
0x51: {  	[sflag:s12] =	ssyncset.done $0x0  }
0x52: {  	[sflag:s12] =	ssyncadd.s32 $0xFFFFF830  }
0x53: {  	_ =	swait.ge [sflag:s12], $0x7D0  }
0x54: {  	[sflag:s12] =	ssyncset.done $0x0  }
0x55: {  	[sflag:s12] =	ssyncadd.s32 $0xFFFFF830  }
0x56: {  	_ =	swait.ge [sflag:s12], $0x7D0  }
0x57: {  	[sflag:s12] =	ssyncset.done $0x0  }
0x58: {  	[sflag:s12] =	ssyncadd.s32 $0xFFFFF830  }
0x59: {  	_ =	swait.ge [sflag:s12], $0x7D0  }
0x5a: {  	[sflag:s12] =	ssyncset.done $0x0  }
0x5b: {  	[sflag:s12] =	ssyncadd.s32 $0xFFFFF830  }
0x5c: {  	_ =	swait.ge [sflag:s12], $0x7D0  }
0x5d: {  	s15 =	sadd.s32 $0x1, s15;
	[sflag:s12] =	ssyncset.done $0x0  }
0x5e: {  	p0 =	sne.s32 s15, s7;
	[sflag:s12] =	ssyncadd.s32 $0xFFFFF830  }
.Ltmp3:
0x5f: {  	[bflag:$0x0] =	sbarrier.arrive $0xFFFF;
	(pc) =	sbr.rel @p0 .LBB2_1-.Ltmp3, $4  }
0x60: {  	[hbm:s6], [sflag:s13] =	dma.local [spmem:s14], $0x500  }
0x61: {  	_ =	swait.ge [sflag:s8], $0x500  }
0x62: {  	[sflag:s8] =	ssyncset.done $0x0  }
0x63: {  	[sflag:s8] =	ssyncadd.s32 $0xFFFFFB00  }
0x64: {  	_ =	sfence.sel $0x180000  }
0x65: {  	[bflag:$0x0] =	sbarrier.arrive $0xFFFF  }
0x66: {  	p0 =	sne.s32 s0, $0x0;
	_ =	strace $0x90000047  }
0x67: {  	s0 =	sadd.s32 @!p0 $0x100000, s1;
	[bflag:$0x2] =	sbarrier.arrive $0xFFFF  }
0x68: {  	[sflag:s0] =	ssyncadd.tile.s32 @!p0 $0x1;
	_ =	shalt  }
.Lfunc_end2:
_tile_overlayer_lowered:
.L_overlay_start_2:
0x69: {  	(tag) =	ssettag $0x2  }
0x6a: {  	s0 =	rddreg [dreg:$0x0];
	s2 =	stileid.u32  }
0x6b: {  	s1 =	rddreg [dreg:$0x1];
	p0 =	sne.s32 s2, $0x0  }
0x6c: {  	s3 =	rddreg [dreg:$0x2];
	[bflag:$0x3] =	sbarrier.arrive $0xFFFF;
	s2 =	simm.s32 @!p0 $0x1C02  }
0x6d: {  	[timem:s3], [sflag:s2] =	dma.local @!p0 [hbm:s0], s1  }
0x6e: {  	s0 =	simm.s32 @!p0 $0x2  }
0x6f: {  	_ =	swait.ge @!p0 [sflag:s0], s1  }
0x70: {  	s1 =	ssub.s32 @!p0 $0x0, s1;
	[sflag:s0] =	ssyncset.done @!p0 $0x0  }
0x71: {  	[sflag:s0] =	ssyncadd.s32 @!p0 s1  }
0x72: {  	[bflag:$0x3] =	sbarrier.arrive $0xFFFF  }
0x73: {  	_ =	shalt  }

</sc_bundles>
